<compile_context>
chip_gen: v7x
topology: tpu7x:2x2x1
jax: 0.10.2.dev20260603
libtpu: 0.0.44.dev20260713+nightly
codegen_flags: <defaults>
</compile_context>

<pallas_src>
import functools

import jax
import jax.numpy as jnp
from jax import lax
from jax.experimental import pallas as pl
from jax.experimental.pallas import tpu as pltpu
from jax.experimental.pallas import tpu_sc as plsc

N_EDGES = 320000
D = 128
N_SEG = 10000
SEG_PAD = 10240
DUMMY = SEG_PAD - 1

NC = 2
NS = 16
NW = NC * NS
CHUNK = 128
EDGES_PER_W = N_EDGES // NW
FULL_CHUNKS = EDGES_PER_W // CHUNK
TAIL = EDGES_PER_W - FULL_CHUNKS * CHUNK
PAIRS = (FULL_CHUNKS + 1) // 2
CHUNKS_PER_W = FULL_CHUNKS + 1
ROWS_PER_TILE = SEG_PAD // NS


def _sc_segment_sum(inp, idx_blocks, zrows):
  mesh = plsc.VectorSubcoreMesh(core_axis_name="c", subcore_axis_name="s")

  @functools.partial(
      pl.kernel,
      mesh=mesh,
      out_type=(
          jax.ShapeDtypeStruct((SEG_PAD, D), jnp.float32),
          jax.ShapeDtypeStruct((SEG_PAD, D), jnp.float32),
      ),
      scratch_types=[
          pltpu.VMEM((CHUNKS_PER_W, CHUNK), jnp.int32),
          pltpu.VMEM((CHUNK, D), jnp.float32),
          pltpu.VMEM((CHUNK, D), jnp.float32),
          pltpu.VMEM_SHARED((SEG_PAD, D), jnp.float32),
          pltpu.SemaphoreType.DMA,
          pltpu.SemaphoreType.DMA,
          pltpu.SemaphoreType.DMA,
          pltpu.SemaphoreType.DMA,
          pltpu.SemaphoreType.DMA,
      ],
  )
  def body(inp_hbm, idx_hbm, z_hbm, out0_hbm, out1_hbm,
           idx_v, rows0, rows1, acc, gs0, gs1, ss0, ss1, zs):
    c = lax.axis_index("c")
    s = lax.axis_index("s")
    w = c * NS + s
    ebase = w * EDGES_PER_W

    def gather(j, buf, sem):
      pltpu.async_copy(inp_hbm.at[pl.ds(ebase + j * CHUNK, CHUNK)], buf, sem)

    def gather_wait(j, buf, sem):
      pltpu.make_async_copy(
          inp_hbm.at[pl.ds(ebase + j * CHUNK, CHUNK)], buf, sem).wait()

    def scatter(j, buf, sem):
      pltpu.async_copy(buf, acc.at[idx_v.at[j]], sem, add=True)

    def scatter_wait(j, buf, sem):
      pltpu.make_async_copy(buf, acc.at[idx_v.at[j]], sem).wait()

    zdst = acc.at[pl.ds(s * ROWS_PER_TILE, ROWS_PER_TILE)]
    pltpu.async_copy(z_hbm, zdst, zs)
    gather(0, rows0, gs0)
    gather(1, rows1, gs1)
    pltpu.sync_copy(idx_hbm.at[w], idx_v)
    pltpu.make_async_copy(z_hbm, zdst, zs).wait()
    plsc.subcore_barrier()

    def step(k, _):
      c0 = 2 * k
      c1 = 2 * k + 1
      gather_wait(c0, rows0, gs0)
      scatter(c0, rows0, ss0)
      gather_wait(c1, rows1, gs1)
      scatter(c1, rows1, ss1)
      scatter_wait(c0, rows0, ss0)

      @pl.when(k < PAIRS - 1)
      def _():
        gather(c0 + 2, rows0, gs0)

      scatter_wait(c1, rows1, ss1)

      @pl.when(k < PAIRS - 1)
      def _():
        gather(c1 + 2, rows1, gs1)

      return 0

    lax.fori_loop(0, PAIRS, step, 0)

    pltpu.sync_copy(
        inp_hbm.at[pl.ds(ebase + FULL_CHUNKS * CHUNK, TAIL)],
        rows0.at[pl.ds(0, TAIL)])
    pltpu.sync_copy(rows0, acc.at[idx_v.at[FULL_CHUNKS]], add=True)

    plsc.subcore_barrier()

    rs = s * ROWS_PER_TILE

    @pl.when(c == 0)
    def _():
      pltpu.sync_copy(acc.at[pl.ds(rs, ROWS_PER_TILE)],
                      out0_hbm.at[pl.ds(rs, ROWS_PER_TILE)])

    @pl.when(c == 1)
    def _():
      pltpu.sync_copy(acc.at[pl.ds(rs, ROWS_PER_TILE)],
                      out1_hbm.at[pl.ds(rs, ROWS_PER_TILE)])

  return body(inp, idx_blocks, zrows)


def _combine_body(p0_ref, p1_ref, o_ref):
  o_ref[...] = p0_ref[...] + p1_ref[...]


def _combine(p0, p1):
  blk = 5000
  return pl.pallas_call(
      _combine_body,
      grid=(N_SEG // blk,),
      in_specs=[
          pl.BlockSpec((blk, D), lambda i: (i, 0)),
          pl.BlockSpec((blk, D), lambda i: (i, 0)),
      ],
      out_specs=pl.BlockSpec((blk, D), lambda i: (i, 0)),
      out_shape=jax.ShapeDtypeStruct((N_SEG, D), jnp.float32),
  )(p0, p1)


@jax.jit
def kernel(input, index):
  idx = index.astype(jnp.int32).reshape(NW, EDGES_PER_W)
  pad = jnp.full((NW, CHUNKS_PER_W * CHUNK - EDGES_PER_W), DUMMY, jnp.int32)
  idx_blocks = jnp.concatenate([idx, pad], axis=1).reshape(
      NW, CHUNKS_PER_W, CHUNK)
  zrows = jnp.zeros((ROWS_PER_TILE, D), jnp.float32)
  p0, p1 = _sc_segment_sum(input, idx_blocks, zrows)
  return _combine(p0, p1)

# --- scband reference (transcript-rebuilt; emitter-appended) ---
"""Pipeline reference for scband-loma-sum-aggr-69990787056179 (READ-ONLY COPY).

The authoritative reference and input builder live on the scoring server;
editing this copy changes nothing except your own understanding.
"""

import jax, jax.numpy as jnp
import numpy as np

N_EDGES = 320000
D_FEAT = 128
N_SEGMENTS = 10000

def setup_inputs(seed: int = 0) -> dict:
    key = jax.random.key(seed)
    k1, k2 = jax.random.split(key)
    inp = jax.random.normal(k1, (N_EDGES, D_FEAT), dtype=jnp.float32)
    index = jnp.sort(jax.random.randint(k2, (N_EDGES,), 0, N_SEGMENTS, dtype=jnp.int64))
    return {"input": inp, "index": index}

def reference(input, index):
    # LomaSumAggr: sum-aggregate rows of `input` into segments given by `index`.
    # Equivalent to scatter-add / segment sum with num_segments = max node id space.
    out = jax.ops.segment_sum(input, index, num_segments=N_SEGMENTS)
    return out

if __name__ == "__main__":
    import jax
    _d = setup_inputs()
    print(jax.jit(kernel)(*tuple(_d.values())))

</pallas_src>

<mosaic_0001>
#map = affine_map<(d0, d1) -> (0, 0)>
#map1 = affine_map<(d0, d1) -> (0, 0, 0)>
module attributes {stable_mosaic.version = 14 : i64} {
  func.func @body(%arg0: i32, %arg1: i32, %arg2: memref<320000x128xf32, #tpu.memory_space<hbm>>, %arg3: memref<32x79x128xi32, #tpu.memory_space<hbm>>, %arg4: memref<640x128xf32, #tpu.memory_space<hbm>>, %arg5: memref<10240x128xf32, #tpu.memory_space<hbm>>, %arg6: memref<10240x128xf32, #tpu.memory_space<hbm>>, %arg7: memref<79x128xi32, #tpu.memory_space<vmem>>, %arg8: memref<128x128xf32, #tpu.memory_space<vmem>>, %arg9: memref<128x128xf32, #tpu.memory_space<vmem>>, %arg10: memref<10240x128xf32, #tpu.memory_space<vmem_shared>>, %arg11: memref<!tpu.dma_semaphore, #tpu.memory_space<semaphore_mem>>, %arg12: memref<!tpu.dma_semaphore, #tpu.memory_space<semaphore_mem>>, %arg13: memref<!tpu.dma_semaphore, #tpu.memory_space<semaphore_mem>>, %arg14: memref<!tpu.dma_semaphore, #tpu.memory_space<semaphore_mem>>, %arg15: memref<!tpu.dma_semaphore, #tpu.memory_space<semaphore_mem>>) attributes {dimension_semantics = [#tpu.dimension_semantics<core_parallel>, #tpu.dimension_semantics<subcore_parallel>], iteration_bounds = array<i64: 2, 16>, scalar_prefetch = 0 : i64, scratch_operands = 9 : i64, tpu.core_type = #tpu.core_type<sc_vector_subcore>, window_params = [{transform_indices = #map}, {transform_indices = #map1}, {transform_indices = #map}, {transform_indices = #map}, {transform_indices = #map}]} {
    %mul3A = arith.constant 16 : i32
    %mul3A_0 = arith.muli %arg0, %mul3A : i32
    %add3A = arith.addi %mul3A_0, %arg1 : i32
    %mul3A_1 = arith.constant 10000 : i32
    %mul3A_2 = arith.muli %add3A, %mul3A_1 : i32
    %mul3A_3 = arith.constant 640 : i32
    %mul3A_4 = arith.muli %arg1, %mul3A_3 : i32
    %dma_start3A = arith.constant 0 : i32
    %dma_start3A_5 = tpu.memref_slice %arg10[%mul3A_4, %dma_start3A] : memref<10240x128xf32, #tpu.memory_space<vmem_shared>> -> memref<640x128xf32, #tpu.memory_space<vmem_shared>>
    tpu.enqueue_dma source(%arg4 : memref<640x128xf32, #tpu.memory_space<hbm>>) target(%dma_start3A_5 : memref<640x128xf32, #tpu.memory_space<vmem_shared>>) target_semaphore(%arg15 : memref<!tpu.dma_semaphore, #tpu.memory_space<semaphore_mem>>)
    %add3A_6 = arith.constant 0 : i32
    %add3A_7 = arith.addi %mul3A_2, %add3A_6 : i32
    %dma_start3A_8 = arith.constant 0 : i32
    %dma_start3A_9 = tpu.memref_slice %arg2[%add3A_7, %dma_start3A_8] : memref<320000x128xf32, #tpu.memory_space<hbm>> -> memref<128x128xf32, #tpu.memory_space<hbm>>
    %dma_start3A_10 = arith.constant 0 : i32
    %dma_start3A_11 = tpu.memref_slice %arg2[%add3A_7, %dma_start3A_10] : memref<320000x128xf32, #tpu.memory_space<hbm>> -> memref<128x128xf32, #tpu.memory_space<hbm>>
    tpu.enqueue_dma source(%dma_start3A_11 : memref<128x128xf32, #tpu.memory_space<hbm>>) target(%arg8 : memref<128x128xf32, #tpu.memory_space<vmem>>) target_semaphore(%arg11 : memref<!tpu.dma_semaphore, #tpu.memory_space<semaphore_mem>>)
    %add3A_12 = arith.constant 128 : i32
    %add3A_13 = arith.addi %mul3A_2, %add3A_12 : i32
    %dma_start3A_14 = arith.constant 0 : i32
    %dma_start3A_15 = tpu.memref_slice %arg2[%add3A_13, %dma_start3A_14] : memref<320000x128xf32, #tpu.memory_space<hbm>> -> memref<128x128xf32, #tpu.memory_space<hbm>>
    %dma_start3A_16 = arith.constant 0 : i32
    %dma_start3A_17 = tpu.memref_slice %arg2[%add3A_13, %dma_start3A_16] : memref<320000x128xf32, #tpu.memory_space<hbm>> -> memref<128x128xf32, #tpu.memory_space<hbm>>
    tpu.enqueue_dma source(%dma_start3A_17 : memref<128x128xf32, #tpu.memory_space<hbm>>) target(%arg9 : memref<128x128xf32, #tpu.memory_space<vmem>>) target_semaphore(%arg12 : memref<!tpu.dma_semaphore, #tpu.memory_space<semaphore_mem>>)
    "tpu.region"() ({
      %run_scoped3A_37 = tpu.sem_alloc : memref<!tpu.dma_semaphore, #tpu.memory_space<semaphore_mem>>
      %dma_start3A_38 = arith.constant 0 : i32
      %dma_start3A_39 = arith.constant 0 : i32
      %dma_start3A_40 = tpu.memref_slice %arg3[%add3A, %dma_start3A_38, %dma_start3A_39] : memref<32x79x128xi32, #tpu.memory_space<hbm>> -> memref<1x79x128xi32, #tpu.memory_space<hbm>>
      %dma_start3A_41 = tpu.memref_squeeze %dma_start3A_40 : memref<1x79x128xi32, #tpu.memory_space<hbm>> -> memref<79x128xi32, #tpu.memory_space<hbm>>
      %dma_start3A_42 = arith.constant 0 : i32
      %dma_start3A_43 = arith.constant 0 : i32
      %dma_start3A_44 = tpu.memref_slice %arg3[%add3A, %dma_start3A_42, %dma_start3A_43] : memref<32x79x128xi32, #tpu.memory_space<hbm>> -> memref<1x79x128xi32, #tpu.memory_space<hbm>>
      %dma_start3A_45 = tpu.memref_squeeze %dma_start3A_44 : memref<1x79x128xi32, #tpu.memory_space<hbm>> -> memref<79x128xi32, #tpu.memory_space<hbm>>
      tpu.enqueue_dma source(%dma_start3A_45 : memref<79x128xi32, #tpu.memory_space<hbm>>) target(%arg7 : memref<79x128xi32, #tpu.memory_space<vmem>>) target_semaphore(%run_scoped3A_37 : memref<!tpu.dma_semaphore, #tpu.memory_space<semaphore_mem>>)
      %dma_wait3A_46 = arith.constant 0 : i32
      %dma_wait3A_47 = arith.constant 0 : i32
      %dma_wait3A_48 = tpu.memref_slice %arg3[%add3A, %dma_wait3A_46, %dma_wait3A_47] : memref<32x79x128xi32, #tpu.memory_space<hbm>> -> memref<1x79x128xi32, #tpu.memory_space<hbm>>
      %dma_wait3A_49 = tpu.memref_squeeze %dma_wait3A_48 : memref<1x79x128xi32, #tpu.memory_space<hbm>> -> memref<79x128xi32, #tpu.memory_space<hbm>>
      %dma_wait3A_50 = arith.constant 0 : i32
      %dma_wait3A_51 = arith.constant 0 : i32
      %dma_wait3A_52 = tpu.memref_slice %arg3[%add3A, %dma_wait3A_50, %dma_wait3A_51] : memref<32x79x128xi32, #tpu.memory_space<hbm>> -> memref<1x79x128xi32, #tpu.memory_space<hbm>>
      %dma_wait3A_53 = tpu.memref_squeeze %dma_wait3A_52 : memref<1x79x128xi32, #tpu.memory_space<hbm>> -> memref<79x128xi32, #tpu.memory_space<hbm>>
      tpu.wait_dma2 semaphore(%run_scoped3A_37 : memref<!tpu.dma_semaphore, #tpu.memory_space<semaphore_mem>>) src(%dma_wait3A_53 : memref<79x128xi32, #tpu.memory_space<hbm>>) dst(%arg7 : memref<79x128xi32, #tpu.memory_space<vmem>>)
      tpu.yield
    }) : () -> ()
    %dma_wait3A = arith.constant 0 : i32
    %dma_wait3A_18 = tpu.memref_slice %arg10[%mul3A_4, %dma_wait3A] : memref<10240x128xf32, #tpu.memory_space<vmem_shared>> -> memref<640x128xf32, #tpu.memory_space<vmem_shared>>
    tpu.wait_dma2 semaphore(%arg15 : memref<!tpu.dma_semaphore, #tpu.memory_space<semaphore_mem>>) src(%arg4 : memref<640x128xf32, #tpu.memory_space<hbm>>) dst(%dma_wait3A_18 : memref<640x128xf32, #tpu.memory_space<vmem_shared>>)
    %barrier3A = arith.constant 0 : index
    tpu.barrier barrier_id(%barrier3A)
    %scan3A = arith.constant 0 : i32
    %scan3A_19 = arith.constant 0 : i32
    %scan3A_20 = arith.constant 39 : i32
    %scan3A_21 = arith.addi %scan3A_19, %scan3A_20 : i32
    %scan3A_22 = arith.constant 1 : i32
    %scan3A_23 = scf.for %scan3A_37 = %scan3A_19 to %scan3A_21 step %scan3A_22 iter_args(%scan3A_38 = %scan3A) -> (i32)  : i32 {
      %mul3A_39 = arith.constant 2 : i32
      %mul3A_40 = arith.muli %mul3A_39, %scan3A_37 : i32
      %mul3A_41 = arith.constant 2 : i32
      %mul3A_42 = arith.muli %mul3A_41, %scan3A_37 : i32
      %add3A_43 = arith.constant 1 : i32
      %add3A_44 = arith.addi %mul3A_42, %add3A_43 : i32
      %mul3A_45 = arith.constant 128 : i32
      %mul3A_46 = arith.muli %mul3A_40, %mul3A_45 : i32
      %add3A_47 = arith.addi %mul3A_2, %mul3A_46 : i32
      %dma_wait3A_48 = arith.constant 0 : i32
      %dma_wait3A_49 = tpu.memref_slice %arg2[%add3A_47, %dma_wait3A_48] : memref<320000x128xf32, #tpu.memory_space<hbm>> -> memref<128x128xf32, #tpu.memory_space<hbm>>
      %dma_wait3A_50 = arith.constant 0 : i32
      %dma_wait3A_51 = tpu.memref_slice %arg2[%add3A_47, %dma_wait3A_50] : memref<320000x128xf32, #tpu.memory_space<hbm>> -> memref<128x128xf32, #tpu.memory_space<hbm>>
      tpu.wait_dma2 semaphore(%arg11 : memref<!tpu.dma_semaphore, #tpu.memory_space<semaphore_mem>>) src(%dma_wait3A_51 : memref<128x128xf32, #tpu.memory_space<hbm>>) dst(%arg8 : memref<128x128xf32, #tpu.memory_space<vmem>>)
      %dma_start3A_52 = arith.constant 0 : i32
      %dma_start3A_53 = tpu.memref_slice %arg7[%mul3A_40, %dma_start3A_52] : memref<79x128xi32, #tpu.memory_space<vmem>> -> memref<1x128xi32, #tpu.memory_space<vmem>>
      %dma_start3A_54 = tpu.memref_squeeze %dma_start3A_53 : memref<1x128xi32, #tpu.memory_space<vmem>> -> memref<128xi32, #tpu.memory_space<vmem>>
      %dma_start3A_55 = arith.constant 0 : i32
      %dma_start3A_56 = arith.constant 0 : i32
      %dma_start3A_57 = tpu.memref_slice %arg10[%dma_start3A_55, %dma_start3A_56] : memref<10240x128xf32, #tpu.memory_space<vmem_shared>> -> memref<10240x128xf32, #tpu.memory_space<vmem_shared>>
      tpu.enqueue_indirect_dma source(%arg8 : memref<128x128xf32, #tpu.memory_space<vmem>>) target(%dma_start3A_57 : memref<10240x128xf32, #tpu.memory_space<vmem_shared>>) offsets(%dma_start3A_54 : memref<128xi32, #tpu.memory_space<vmem>>) semaphore(%arg13 : memref<!tpu.dma_semaphore, #tpu.memory_space<semaphore_mem>>) {add = true}
      %mul3A_58 = arith.constant 128 : i32
      %mul3A_59 = arith.muli %add3A_44, %mul3A_58 : i32
      %add3A_60 = arith.addi %mul3A_2, %mul3A_59 : i32
      %dma_wait3A_61 = arith.constant 0 : i32
      %dma_wait3A_62 = tpu.memref_slice %arg2[%add3A_60, %dma_wait3A_61] : memref<320000x128xf32, #tpu.memory_space<hbm>> -> memref<128x128xf32, #tpu.memory_space<hbm>>
      %dma_wait3A_63 = arith.constant 0 : i32
      %dma_wait3A_64 = tpu.memref_slice %arg2[%add3A_60, %dma_wait3A_63] : memref<320000x128xf32, #tpu.memory_space<hbm>> -> memref<128x128xf32, #tpu.memory_space<hbm>>
      tpu.wait_dma2 semaphore(%arg12 : memref<!tpu.dma_semaphore, #tpu.memory_space<semaphore_mem>>) src(%dma_wait3A_64 : memref<128x128xf32, #tpu.memory_space<hbm>>) dst(%arg9 : memref<128x128xf32, #tpu.memory_space<vmem>>)
      %dma_start3A_65 = arith.constant 0 : i32
      %dma_start3A_66 = tpu.memref_slice %arg7[%add3A_44, %dma_start3A_65] : memref<79x128xi32, #tpu.memory_space<vmem>> -> memref<1x128xi32, #tpu.memory_space<vmem>>
      %dma_start3A_67 = tpu.memref_squeeze %dma_start3A_66 : memref<1x128xi32, #tpu.memory_space<vmem>> -> memref<128xi32, #tpu.memory_space<vmem>>
      %dma_start3A_68 = arith.constant 0 : i32
      %dma_start3A_69 = arith.constant 0 : i32
      %dma_start3A_70 = tpu.memref_slice %arg10[%dma_start3A_68, %dma_start3A_69] : memref<10240x128xf32, #tpu.memory_space<vmem_shared>> -> memref<10240x128xf32, #tpu.memory_space<vmem_shared>>
      tpu.enqueue_indirect_dma source(%arg9 : memref<128x128xf32, #tpu.memory_space<vmem>>) target(%dma_start3A_70 : memref<10240x128xf32, #tpu.memory_space<vmem_shared>>) offsets(%dma_start3A_67 : memref<128xi32, #tpu.memory_space<vmem>>) semaphore(%arg14 : memref<!tpu.dma_semaphore, #tpu.memory_space<semaphore_mem>>) {add = true}
      %dma_wait3A_71 = arith.constant 0 : i32
      %dma_wait3A_72 = tpu.memref_slice %arg7[%mul3A_40, %dma_wait3A_71] : memref<79x128xi32, #tpu.memory_space<vmem>> -> memref<1x128xi32, #tpu.memory_space<vmem>>
      %dma_wait3A_73 = tpu.memref_squeeze %dma_wait3A_72 : memref<1x128xi32, #tpu.memory_space<vmem>> -> memref<128xi32, #tpu.memory_space<vmem>>
      %dma_wait3A_74 = arith.constant 0 : i32
      %dma_wait3A_75 = arith.constant 0 : i32
      %dma_wait3A_76 = tpu.memref_slice %arg10[%dma_wait3A_74, %dma_wait3A_75] : memref<10240x128xf32, #tpu.memory_space<vmem_shared>> -> memref<10240x128xf32, #tpu.memory_space<vmem_shared>>
      tpu.wait_indirect_dma semaphore(%arg13 : memref<!tpu.dma_semaphore, #tpu.memory_space<semaphore_mem>>) src(%arg8 : memref<128x128xf32, #tpu.memory_space<vmem>>) dst(%dma_wait3A_76 : memref<10240x128xf32, #tpu.memory_space<vmem_shared>>)
      %lt3A = arith.constant 38 : i32
      %lt3A_77 = arith.cmpi slt, %scan3A_37, %lt3A : i32
      %convert_element_type3A_78 = arith.extui %lt3A_77 : i1 to i32
      %cond3A_79 = arith.constant 0 : i32
      %cond3A_80 = arith.cmpi ne, %convert_element_type3A_78, %cond3A_79 : i32
      scf.if %cond3A_80 {
        %add3A_93 = arith.constant 2 : i32
        %add3A_94 = arith.addi %mul3A_40, %add3A_93 : i32
        %mul3A_95 = arith.constant 128 : i32
        %mul3A_96 = arith.muli %add3A_94, %mul3A_95 : i32
        %add3A_97 = arith.addi %mul3A_2, %mul3A_96 : i32
        %dma_start3A_98 = arith.constant 0 : i32
        %dma_start3A_99 = tpu.memref_slice %arg2[%add3A_97, %dma_start3A_98] : memref<320000x128xf32, #tpu.memory_space<hbm>> -> memref<128x128xf32, #tpu.memory_space<hbm>>
        %dma_start3A_100 = arith.constant 0 : i32
        %dma_start3A_101 = tpu.memref_slice %arg2[%add3A_97, %dma_start3A_100] : memref<320000x128xf32, #tpu.memory_space<hbm>> -> memref<128x128xf32, #tpu.memory_space<hbm>>
        tpu.enqueue_dma source(%dma_start3A_101 : memref<128x128xf32, #tpu.memory_space<hbm>>) target(%arg8 : memref<128x128xf32, #tpu.memory_space<vmem>>) target_semaphore(%arg11 : memref<!tpu.dma_semaphore, #tpu.memory_space<semaphore_mem>>)
      } else {
      }
      %dma_wait3A_81 = arith.constant 0 : i32
      %dma_wait3A_82 = tpu.memref_slice %arg7[%add3A_44, %dma_wait3A_81] : memref<79x128xi32, #tpu.memory_space<vmem>> -> memref<1x128xi32, #tpu.memory_space<vmem>>
      %dma_wait3A_83 = tpu.memref_squeeze %dma_wait3A_82 : memref<1x128xi32, #tpu.memory_space<vmem>> -> memref<128xi32, #tpu.memory_space<vmem>>
      %dma_wait3A_84 = arith.constant 0 : i32
      %dma_wait3A_85 = arith.constant 0 : i32
      %dma_wait3A_86 = tpu.memref_slice %arg10[%dma_wait3A_84, %dma_wait3A_85] : memref<10240x128xf32, #tpu.memory_space<vmem_shared>> -> memref<10240x128xf32, #tpu.memory_space<vmem_shared>>
      tpu.wait_indirect_dma semaphore(%arg14 : memref<!tpu.dma_semaphore, #tpu.memory_space<semaphore_mem>>) src(%arg9 : memref<128x128xf32, #tpu.memory_space<vmem>>) dst(%dma_wait3A_86 : memref<10240x128xf32, #tpu.memory_space<vmem_shared>>)
      %lt3A_87 = arith.constant 38 : i32
      %lt3A_88 = arith.cmpi slt, %scan3A_37, %lt3A_87 : i32
      %convert_element_type3A_89 = arith.extui %lt3A_88 : i1 to i32
      %cond3A_90 = arith.constant 0 : i32
      %cond3A_91 = arith.cmpi ne, %convert_element_type3A_89, %cond3A_90 : i32
      scf.if %cond3A_91 {
        %add3A_93 = arith.constant 2 : i32
        %add3A_94 = arith.addi %add3A_44, %add3A_93 : i32
        %mul3A_95 = arith.constant 128 : i32
        %mul3A_96 = arith.muli %add3A_94, %mul3A_95 : i32
        %add3A_97 = arith.addi %mul3A_2, %mul3A_96 : i32
        %dma_start3A_98 = arith.constant 0 : i32
        %dma_start3A_99 = tpu.memref_slice %arg2[%add3A_97, %dma_start3A_98] : memref<320000x128xf32, #tpu.memory_space<hbm>> -> memref<128x128xf32, #tpu.memory_space<hbm>>
        %dma_start3A_100 = arith.constant 0 : i32
        %dma_start3A_101 = tpu.memref_slice %arg2[%add3A_97, %dma_start3A_100] : memref<320000x128xf32, #tpu.memory_space<hbm>> -> memref<128x128xf32, #tpu.memory_space<hbm>>
        tpu.enqueue_dma source(%dma_start3A_101 : memref<128x128xf32, #tpu.memory_space<hbm>>) target(%arg9 : memref<128x128xf32, #tpu.memory_space<vmem>>) target_semaphore(%arg12 : memref<!tpu.dma_semaphore, #tpu.memory_space<semaphore_mem>>)
      } else {
      }
      %scan3A_92 = arith.constant 0 : i32
      scf.yield %scan3A_92 : i32
    }
    %scan3A_24 = arith.constant 39 : i32
    %add3A_25 = arith.constant 9984 : i32
    %add3A_26 = arith.addi %mul3A_2, %add3A_25 : i32
    "tpu.region"() ({
      %run_scoped3A_37 = tpu.sem_alloc : memref<!tpu.dma_semaphore, #tpu.memory_space<semaphore_mem>>
      %dma_start3A_38 = arith.constant 0 : i32
      %dma_start3A_39 = arith.constant 0 : i32
      %dma_start3A_40 = tpu.memref_slice %arg8[%dma_start3A_38, %dma_start3A_39] : memref<128x128xf32, #tpu.memory_space<vmem>> -> memref<16x128xf32, #tpu.memory_space<vmem>>
      %dma_start3A_41 = arith.constant 0 : i32
      %dma_start3A_42 = tpu.memref_slice %arg2[%add3A_26, %dma_start3A_41] : memref<320000x128xf32, #tpu.memory_space<hbm>> -> memref<16x128xf32, #tpu.memory_space<hbm>>
      %dma_start3A_43 = arith.constant 0 : i32
      %dma_start3A_44 = arith.constant 0 : i32
      %dma_start3A_45 = tpu.memref_slice %arg8[%dma_start3A_43, %dma_start3A_44] : memref<128x128xf32, #tpu.memory_space<vmem>> -> memref<16x128xf32, #tpu.memory_space<vmem>>
      %dma_start3A_46 = arith.constant 0 : i32
      %dma_start3A_47 = tpu.memref_slice %arg2[%add3A_26, %dma_start3A_46] : memref<320000x128xf32, #tpu.memory_space<hbm>> -> memref<16x128xf32, #tpu.memory_space<hbm>>
      tpu.enqueue_dma source(%dma_start3A_47 : memref<16x128xf32, #tpu.memory_space<hbm>>) target(%dma_start3A_45 : memref<16x128xf32, #tpu.memory_space<vmem>>) target_semaphore(%run_scoped3A_37 : memref<!tpu.dma_semaphore, #tpu.memory_space<semaphore_mem>>)
      %dma_wait3A_48 = arith.constant 0 : i32
      %dma_wait3A_49 = arith.constant 0 : i32
      %dma_wait3A_50 = tpu.memref_slice %arg8[%dma_wait3A_48, %dma_wait3A_49] : memref<128x128xf32, #tpu.memory_space<vmem>> -> memref<16x128xf32, #tpu.memory_space<vmem>>
      %dma_wait3A_51 = arith.constant 0 : i32
      %dma_wait3A_52 = tpu.memref_slice %arg2[%add3A_26, %dma_wait3A_51] : memref<320000x128xf32, #tpu.memory_space<hbm>> -> memref<16x128xf32, #tpu.memory_space<hbm>>
      %dma_wait3A_53 = arith.constant 0 : i32
      %dma_wait3A_54 = arith.constant 0 : i32
      %dma_wait3A_55 = tpu.memref_slice %arg8[%dma_wait3A_53, %dma_wait3A_54] : memref<128x128xf32, #tpu.memory_space<vmem>> -> memref<16x128xf32, #tpu.memory_space<vmem>>
      %dma_wait3A_56 = arith.constant 0 : i32
      %dma_wait3A_57 = tpu.memref_slice %arg2[%add3A_26, %dma_wait3A_56] : memref<320000x128xf32, #tpu.memory_space<hbm>> -> memref<16x128xf32, #tpu.memory_space<hbm>>
      tpu.wait_dma2 semaphore(%run_scoped3A_37 : memref<!tpu.dma_semaphore, #tpu.memory_space<semaphore_mem>>) src(%dma_wait3A_57 : memref<16x128xf32, #tpu.memory_space<hbm>>) dst(%dma_wait3A_55 : memref<16x128xf32, #tpu.memory_space<vmem>>)
      tpu.yield
    }) : () -> ()
    %run_scoped3A = arith.constant 78 : i32
    "tpu.region"() ({
      %run_scoped3A_37 = tpu.sem_alloc : memref<!tpu.dma_semaphore, #tpu.memory_space<semaphore_mem>>
      %dma_start3A_38 = arith.constant 0 : i32
      %dma_start3A_39 = tpu.memref_slice %arg7[%run_scoped3A, %dma_start3A_38] : memref<79x128xi32, #tpu.memory_space<vmem>> -> memref<1x128xi32, #tpu.memory_space<vmem>>
      %dma_start3A_40 = tpu.memref_squeeze %dma_start3A_39 : memref<1x128xi32, #tpu.memory_space<vmem>> -> memref<128xi32, #tpu.memory_space<vmem>>
      %dma_start3A_41 = arith.constant 0 : i32
      %dma_start3A_42 = arith.constant 0 : i32
      %dma_start3A_43 = tpu.memref_slice %arg10[%dma_start3A_41, %dma_start3A_42] : memref<10240x128xf32, #tpu.memory_space<vmem_shared>> -> memref<10240x128xf32, #tpu.memory_space<vmem_shared>>
      tpu.enqueue_indirect_dma source(%arg8 : memref<128x128xf32, #tpu.memory_space<vmem>>) target(%dma_start3A_43 : memref<10240x128xf32, #tpu.memory_space<vmem_shared>>) offsets(%dma_start3A_40 : memref<128xi32, #tpu.memory_space<vmem>>) semaphore(%run_scoped3A_37 : memref<!tpu.dma_semaphore, #tpu.memory_space<semaphore_mem>>) {add = true}
      %dma_wait3A_44 = arith.constant 0 : i32
      %dma_wait3A_45 = tpu.memref_slice %arg7[%run_scoped3A, %dma_wait3A_44] : memref<79x128xi32, #tpu.memory_space<vmem>> -> memref<1x128xi32, #tpu.memory_space<vmem>>
      %dma_wait3A_46 = tpu.memref_squeeze %dma_wait3A_45 : memref<1x128xi32, #tpu.memory_space<vmem>> -> memref<128xi32, #tpu.memory_space<vmem>>
      %dma_wait3A_47 = arith.constant 0 : i32
      %dma_wait3A_48 = arith.constant 0 : i32
      %dma_wait3A_49 = tpu.memref_slice %arg10[%dma_wait3A_47, %dma_wait3A_48] : memref<10240x128xf32, #tpu.memory_space<vmem_shared>> -> memref<10240x128xf32, #tpu.memory_space<vmem_shared>>
      tpu.wait_indirect_dma semaphore(%run_scoped3A_37 : memref<!tpu.dma_semaphore, #tpu.memory_space<semaphore_mem>>) src(%arg8 : memref<128x128xf32, #tpu.memory_space<vmem>>) dst(%dma_wait3A_49 : memref<10240x128xf32, #tpu.memory_space<vmem_shared>>)
      tpu.yield
    }) : () -> ()
    %barrier3A_27 = arith.constant 0 : index
    tpu.barrier barrier_id(%barrier3A_27)
    %mul3A_28 = arith.constant 640 : i32
    %mul3A_29 = arith.muli %arg1, %mul3A_28 : i32
    %eq3A = arith.constant 0 : i32
    %eq3A_30 = arith.cmpi eq, %arg0, %eq3A : i32
    %convert_element_type3A = arith.extui %eq3A_30 : i1 to i32
    %cond3A = arith.constant 0 : i32
    %cond3A_31 = arith.cmpi ne, %convert_element_type3A, %cond3A : i32
    scf.if %cond3A_31 {
      "tpu.region"() ({
        %run_scoped3A_37 = tpu.sem_alloc : memref<!tpu.dma_semaphore, #tpu.memory_space<semaphore_mem>>
        %dma_start3A_38 = arith.constant 0 : i32
        %dma_start3A_39 = tpu.memref_slice %arg5[%mul3A_29, %dma_start3A_38] : memref<10240x128xf32, #tpu.memory_space<hbm>> -> memref<640x128xf32, #tpu.memory_space<hbm>>
        %dma_start3A_40 = arith.constant 0 : i32
        %dma_start3A_41 = tpu.memref_slice %arg10[%mul3A_29, %dma_start3A_40] : memref<10240x128xf32, #tpu.memory_space<vmem_shared>> -> memref<640x128xf32, #tpu.memory_space<vmem_shared>>
        tpu.enqueue_dma source(%dma_start3A_41 : memref<640x128xf32, #tpu.memory_space<vmem_shared>>) target(%dma_start3A_39 : memref<640x128xf32, #tpu.memory_space<hbm>>) target_semaphore(%run_scoped3A_37 : memref<!tpu.dma_semaphore, #tpu.memory_space<semaphore_mem>>)
        %dma_wait3A_42 = arith.constant 0 : i32
        %dma_wait3A_43 = tpu.memref_slice %arg5[%mul3A_29, %dma_wait3A_42] : memref<10240x128xf32, #tpu.memory_space<hbm>> -> memref<640x128xf32, #tpu.memory_space<hbm>>
        %dma_wait3A_44 = arith.constant 0 : i32
        %dma_wait3A_45 = tpu.memref_slice %arg10[%mul3A_29, %dma_wait3A_44] : memref<10240x128xf32, #tpu.memory_space<vmem_shared>> -> memref<640x128xf32, #tpu.memory_space<vmem_shared>>
        tpu.wait_dma2 semaphore(%run_scoped3A_37 : memref<!tpu.dma_semaphore, #tpu.memory_space<semaphore_mem>>) src(%dma_wait3A_45 : memref<640x128xf32, #tpu.memory_space<vmem_shared>>) dst(%dma_wait3A_43 : memref<640x128xf32, #tpu.memory_space<hbm>>)
        tpu.yield
      }) : () -> ()
    } else {
    }
    %eq3A_32 = arith.constant 1 : i32
    %eq3A_33 = arith.cmpi eq, %arg0, %eq3A_32 : i32
    %convert_element_type3A_34 = arith.extui %eq3A_33 : i1 to i32
    %cond3A_35 = arith.constant 0 : i32
    %cond3A_36 = arith.cmpi ne, %convert_element_type3A_34, %cond3A_35 : i32
    scf.if %cond3A_36 {
      "tpu.region"() ({
        %run_scoped3A_37 = tpu.sem_alloc : memref<!tpu.dma_semaphore, #tpu.memory_space<semaphore_mem>>
        %dma_start3A_38 = arith.constant 0 : i32
        %dma_start3A_39 = tpu.memref_slice %arg6[%mul3A_29, %dma_start3A_38] : memref<10240x128xf32, #tpu.memory_space<hbm>> -> memref<640x128xf32, #tpu.memory_space<hbm>>
        %dma_start3A_40 = arith.constant 0 : i32
        %dma_start3A_41 = tpu.memref_slice %arg10[%mul3A_29, %dma_start3A_40] : memref<10240x128xf32, #tpu.memory_space<vmem_shared>> -> memref<640x128xf32, #tpu.memory_space<vmem_shared>>
        tpu.enqueue_dma source(%dma_start3A_41 : memref<640x128xf32, #tpu.memory_space<vmem_shared>>) target(%dma_start3A_39 : memref<640x128xf32, #tpu.memory_space<hbm>>) target_semaphore(%run_scoped3A_37 : memref<!tpu.dma_semaphore, #tpu.memory_space<semaphore_mem>>)
        %dma_wait3A_42 = arith.constant 0 : i32
        %dma_wait3A_43 = tpu.memref_slice %arg6[%mul3A_29, %dma_wait3A_42] : memref<10240x128xf32, #tpu.memory_space<hbm>> -> memref<640x128xf32, #tpu.memory_space<hbm>>
        %dma_wait3A_44 = arith.constant 0 : i32
        %dma_wait3A_45 = tpu.memref_slice %arg10[%mul3A_29, %dma_wait3A_44] : memref<10240x128xf32, #tpu.memory_space<vmem_shared>> -> memref<640x128xf32, #tpu.memory_space<vmem_shared>>
        tpu.wait_dma2 semaphore(%run_scoped3A_37 : memref<!tpu.dma_semaphore, #tpu.memory_space<semaphore_mem>>) src(%dma_wait3A_45 : memref<640x128xf32, #tpu.memory_space<vmem_shared>>) dst(%dma_wait3A_43 : memref<640x128xf32, #tpu.memory_space<hbm>>)
        tpu.yield
      }) : () -> ()
    } else {
    }
    return
  }
}

module attributes {stable_mosaic.version = 14 : i64} {
  func.func @_combine_body(%arg0: i32, %arg1: memref<5000x128xf32, #tpu.memory_space<vmem>>, %arg2: memref<5000x128xf32, #tpu.memory_space<vmem>>, %arg3: memref<5000x128xf32, #tpu.memory_space<vmem>>) attributes {dimension_semantics = [#tpu.dimension_semantics<arbitrary>], iteration_bounds = array<i64: 2>, scalar_prefetch = 0 : i64, scratch_operands = 0 : i64, tpu.core_type = #tpu.core_type<tc>, window_params = [{transform_indices = @transform_0, window_bounds = array<i64: 5000, 128>}, {transform_indices = @transform_1, window_bounds = array<i64: 5000, 128>}, {transform_indices = @transform_2, window_bounds = array<i64: 5000, 128>}]} {
    %get3A = arith.constant 0 : index
    %get3A_0 = arith.constant 0 : index
    %get3A_1 = vector.load %arg1[%get3A, %get3A_0] : memref<5000x128xf32, #tpu.memory_space<vmem>>, vector<5000x128xf32>
    %get3A_2 = arith.constant 0 : index
    %get3A_3 = arith.constant 0 : index
    %get3A_4 = vector.load %arg2[%get3A_2, %get3A_3] : memref<5000x128xf32, #tpu.memory_space<vmem>>, vector<5000x128xf32>
    %add3A = arith.addf %get3A_1, %get3A_4 : vector<5000x128xf32>
    %swap3A = arith.constant 0 : index
    %swap3A_5 = arith.constant 0 : index
    %swap3A_6 = vector.load %arg3[%swap3A, %swap3A_5] : memref<5000x128xf32, #tpu.memory_space<vmem>>, vector<5000x128xf32>
    tpu.vector_store %arg3[%swap3A, %swap3A_5], %add3A {strides = array<i32>} : memref<5000x128xf32, #tpu.memory_space<vmem>>, vector<5000x128xf32>,
    return
  }
  func.func @transform_0(%arg0: i32) -> (i32, i32) {
    %c0_i32 = arith.constant 0 : i32
    %c0_i32_0 = arith.constant 0 : i32
    return %arg0, %c0_i32 : i32, i32
  }
  func.func @transform_1(%arg0: i32) -> (i32, i32) {
    %c0_i32 = arith.constant 0 : i32
    %c0_i32_0 = arith.constant 0 : i32
    return %arg0, %c0_i32 : i32, i32
  }
  func.func @transform_2(%arg0: i32) -> (i32, i32) {
    %c0_i32 = arith.constant 0 : i32
    %c0_i32_0 = arith.constant 0 : i32
    return %arg0, %c0_i32 : i32, i32
  }
}

</mosaic_0001>

<sc_bundles>
// kernel: kernel.4.cloned.1.call-start
scs
__scs_entry_jumppad:
0x0: {  	(pc) =	sbr.rel $0x88, $3  }
0x1: {  	(tag) =	ssettag $0x0;
	lr =	simm.s32 $0x1  }
0x2: {  	[smem:$0x3F9F] =	sst lr;
	_ =	strace $0xD0000000  }
0x3: {  	_ = 	snop  }
0x4: {  	_ = 	snop  }
0x5: {  	_ = 	snop  }
0x6: {  	_ = 	snop  }
0x7: {  	_ = 	snop  }
__scs_overlays_trampoline_lowered:
0x8: {  	[smem:$0x3FAE] =	sst s0  }
0x9: {  	[smem:$0x3FAF] =	sst s1  }
0xa: {  	[smem:$0x3FB0] =	sst s2  }
0xb: {  	[smem:$0x3FB1] =	sst s3  }
0xc: {  	[smem:$0x3FB2] =	sst s4  }
0xd: {  	[smem:$0x3FB3] =	sst s5  }
0xe: {  	[smem:$0x3FB4] =	sst s6  }
0xf: {  	[smem:$0x3FB5] =	sst s7  }
0x10: {  	[smem:$0x3FB6] =	sst s8  }
0x11: {  	[smem:$0x3FB7] =	sst s9;
	s0 =	simm.s32 @!p0 $0x0  }
0x12: {  	s1 =	sld [smem:$0x3F9D];
	s0 =	simm.s32 @p0 $0x1  }
0x13: {  	[smem:$0x3FB8] =	sst s0;
	s0 =	simm.s32 @!p1 $0x0  }
0x14: {  	s2 =	sld [smem:$0x3F9C];
	s0 =	simm.s32 @p1 $0x1  }
0x15: {  	[smem:$0x3FB9] =	sst s0;
	s0 =	simm.s32 @!p2 $0x0  }
0x16: {  	s3 =	sld [smem:$0x3FDB];
	s0 =	simm.s32 @p2 $0x1  }
0x17: {  	s4 =	simm.s32 $0x1BF5;
	[smem:$0x3FBB] =	sst s0  }
0x18: {  	s0 =	sld [smem:$0x3F9E];
	_ =	swait.ge [sflag:s4], $0x0  }
0x19: {  	s7 =	sld [smem:$0x3F9F]  }
0x1a: {  	s8 =	sadd.s32 $0xFFFFE003, lr  }
0x1b: {  	s9 =	sadd.s32 $0xFFFFFEF7, lr;
	s5 =	simm.s32 $0xFFFFFFFF;
	p2 =	slt.u32 s8, $0xFFFFF086  }
0x1c: {  	p1 =	slt.u32 s9, $0xF7A;
	s5 =	simm.s32 @!p2 $0x0  }
0x1d: {  	s5 =	simm.s32 @p1 $0x1;
	p0 =	seq.s32 s7, s2  }
0x1e: {  	s7 =	smul.u32 @!p0 $0xF7A, s2;
	p2 =	seq.s32 @!p0 s5, $0x0  }
0x1f: {  	s9 =	smul.u32 $0xF7A, s1;
	s8 =	simm.s32 @!p0 $0x1BF5;
	p2 =	por !p2, p0  }
0x20: {  	[sflag:s8] =	ssyncset.s32 @!p0 $0xFFFFF086;
	s6 =	sadd.s32 @!p0 s3, s7;
	s7 =	simm.s32 @!p0 $0x108  }
0x21: {  	s3 =	sadd.s32 s3, s9;
	s6 =	sadd.s32 @!p0 $0x88, s6;
	s7 =	simm.s32 @p2 $0x1082  }
0x22: {  	[simem:s7], [sflag:s8] =	dma.local @!p0 [hbm:s6], $0xF7A  }
0x23: {  	s9 =	sor.u32 $0xD0000000, s2;
	s6 =	simm.s32 $0x108;
	_ =	swait.ge @!p0 [sflag:s8], $0x0  }
0x24: {  	s3 =	sadd.s32 $0x88, s3;
	s6 =	simm.s32 @!p1 $0x1082;
	[sflag:s4] =	ssyncset.s32 $0xFFFFF086  }
0x25: {  	[simem:s6], [sflag:s4] =	dma.local [hbm:s3], $0xF7A  }
0x26: {  	[smem:$0x3F9F] =	sst s1;
	(tag) =	ssettag s2;
	_ =	strace s9  }
0x27: {  	s1 =	sld [smem:$0x3FAF]  }
0x28: {  	s2 =	sld [smem:$0x3FB0]  }
0x29: {  	s4 =	sld [smem:$0x3FB2]  }
0x2a: {  	p0 =	seq.s32 s5, $0x0;
	s5 =	sld [smem:$0x3FB3]  }
0x2b: {  	s6 =	sld [smem:$0x3FB4]  }
0x2c: {  	s7 =	sld [smem:$0x3FB5]  }
0x2d: {  	s3 =	simm.s32 $0x108;
	s8 =	sld [smem:$0x3FB6]  }
0x2e: {  	s3 =	simm.s32 @!p0 $0x1082;
	s9 =	sld [smem:$0x3FB7]  }
0x2f: {  	lr =	sadd.s32 s0, s3;
	s0 =	sld [smem:$0x3FAE]  }
0x30: {  	s3 =	sld [smem:$0x3FB1]  }
0x31: {  	[smem:$0x3FBA] =	sst s10  }
0x32: {  	s10 =	sld [smem:$0x3FB8];
	_ =	sdelay $0x3  }
0x33: {  	p0 =	seq.s32 s10, $0x1;
	s10 =	sld [smem:$0x3FBA];
	_ =	sdelay $0x3  }
0x34: {  	[smem:$0x3FBA] =	sst s10  }
0x35: {  	s10 =	sld [smem:$0x3FB9];
	_ =	sdelay $0x3  }
0x36: {  	p1 =	seq.s32 s10, $0x1;
	s10 =	sld [smem:$0x3FBA];
	_ =	sdelay $0x3  }
0x37: {  	[smem:$0x3FBA] =	sst s10  }
0x38: {  	s10 =	sld [smem:$0x3FBB]  }
0x39: {  	_ = 	snop;
	(pc) =	sbr.ind lr, $3  }
0x3a: {  	_ = 	snop  }
0x3b: {  	_ = 	snop  }
0x3c: {  	p2 =	seq.s32 s10, $0x1;
	s10 =	sld [smem:$0x3FBA]  }
0x3d: {  	_ =	shalt  }
0x3e: {  	_ =	shalt  }
0x3f: {  	_ =	shalt  }
0x40: {  	_ =	shalt  }
0x41: {  	_ =	shalt  }
0x42: {  	_ =	shalt  }
0x43: {  	_ =	shalt  }
0x44: {  	_ =	shalt  }
0x45: {  	_ =	shalt  }
0x46: {  	_ =	shalt  }
0x47: {  	_ =	shalt  }
0x48: {  	_ =	shalt  }
0x49: {  	_ =	shalt  }
0x4a: {  	_ =	shalt  }
0x4b: {  	_ =	shalt  }
0x4c: {  	_ =	shalt  }
0x4d: {  	_ =	shalt  }
0x4e: {  	_ =	shalt  }
0x4f: {  	_ =	shalt  }
0x50: {  	_ =	shalt  }
0x51: {  	_ =	shalt  }
0x52: {  	_ =	shalt  }
0x53: {  	_ =	shalt  }
0x54: {  	_ =	shalt  }
0x55: {  	_ =	shalt  }
0x56: {  	_ =	shalt  }
0x57: {  	_ =	shalt  }
0x58: {  	_ =	shalt  }
0x59: {  	_ =	shalt  }
0x5a: {  	_ =	shalt  }
0x5b: {  	_ =	shalt  }
0x5c: {  	_ =	shalt  }
0x5d: {  	_ =	shalt  }
0x5e: {  	_ =	shalt  }
0x5f: {  	_ =	shalt  }
0x60: {  	_ =	shalt  }
0x61: {  	_ =	shalt  }
0x62: {  	_ =	shalt  }
0x63: {  	_ =	shalt  }
0x64: {  	_ =	shalt  }
0x65: {  	_ =	shalt  }
0x66: {  	_ =	shalt  }
0x67: {  	_ =	shalt  }
0x68: {  	_ =	shalt  }
0x69: {  	_ =	shalt  }
0x6a: {  	_ =	shalt  }
0x6b: {  	_ =	shalt  }
0x6c: {  	_ =	shalt  }
0x6d: {  	_ =	shalt  }
0x6e: {  	_ =	shalt  }
0x6f: {  	_ =	shalt  }
0x70: {  	_ =	shalt  }
0x71: {  	_ =	shalt  }
0x72: {  	_ =	shalt  }
0x73: {  	_ =	shalt  }
0x74: {  	_ =	shalt  }
0x75: {  	_ =	shalt  }
0x76: {  	_ =	shalt  }
0x77: {  	_ =	shalt  }
0x78: {  	_ =	shalt  }
0x79: {  	_ =	shalt  }
0x7a: {  	_ =	shalt  }
0x7b: {  	_ =	shalt  }
0x7c: {  	_ =	shalt  }
0x7d: {  	_ =	shalt  }
0x7e: {  	_ =	shalt  }
0x7f: {  	_ =	shalt  }
0x80: {  	_ =	shalt  }
0x81: {  	_ =	shalt  }
0x82: {  	_ =	shalt  }
0x83: {  	_ =	shalt  }
0x84: {  	_ =	shalt  }
0x85: {  	_ =	shalt  }
0x86: {  	_ =	shalt  }
0x87: {  	_ =	shalt  }
.Lfunc_end0:
.L_simem_size_0:
called_computation_lowered:
.L_overlay_start_0:
0x88: {  	s2 =	sld [smem:$0x3FD9]  }
0x89: {  	s3 =	sld [smem:$0x3FFE];
	_ =	sdelay $0x1  }
0x8a: {  	s1 =	srdreg.scid  }
0x8b: {  	s0 =	sand.u32 $0x1, s1  }
0x8c: {  	s17 =	sshll.u32 s0, $0xA;
	s2 =	sadd.s32 s3, s2  }
0x8d: {  	s2 =	sadd.s32 s2, s17  }
0x8e: {  	[smem:$0x3FC6] =	sst s2  }
0x8f: {  	_ = 	snop  }
0x90: {  	s2 =	sld [smem:$0x3FC9]  }
0x91: {  	s18 =	sld [smem:$0x3FD0];
	(tm) =	ssettm $0x1  }
0x92: {  	s4 =	sld [smem:$0x3FFB];
	_ =	sdelay $0x3  }
0x93: {  	_ =	strace s4  }
0x94: {  	s4 =	sld [smem:$0x3FFC];
	_ =	sdelay $0x3  }
0x95: {  	_ =	strace s4  }
0x96: {  	s4 =	sld [smem:$0x3FFD];
	_ =	sdelay $0x3  }
0x97: {  	_ =	strace s4  }
0x98: {  	_ =	strace $0x8FFFFFFF  }
0x99: {  	s19 =	sld [smem:$0x3FDB];
	_ =	sdelay $0x1  }
0x9a: {  	s5 =	simm.s32 $_scs_section_size  }
0x9b: {  	s6 =	simm.s32 $_size__tile_overlayer_lowered;
	s7 =	simm.s32 $_tile_overlayer_lowered  }
0x9c: {  	s22 =	simm.s32 $0x1BFF;
	s21 =	sshll.u32 s7, $0x1;
	s4 =	sadd.s32 s5, s19  }
0x9d: {  	s8 =	simm.s32 $0x0;
	s20 =	sshll.u32 s6, $0x1;
	s6 =	sadd.s32 s21, s4  }
0x9e: {  	[timem:s8], [sflag:s22] =	dma.local [hbm:s6], s20  }
0x9f: {  	_ =	swait.ge [sflag:s22], s20  }
0xa0: {  	s5 =	ssub.s32 $0x0, s20;
	[sflag:s22] =	ssyncset.done $0x0  }
0xa1: {  	[sflag:s22] =	ssyncadd.s32 s5;
	_ =	sdelay $0x1  }
0xa2: {  	s23 =	simm.s32 $0x1B8B  }
0xa3: {  	_ =	swait.ge [sflag:s23], $0x1  }
0xa4: {  	[sflag:s23] =	ssyncset.done $0x0  }
0xa5: {  	s25 =	simm.s32 $0x1B8E;
	s24 =	sld [smem:$0x3FFE];
	[sflag:s23] =	ssyncadd.s32 $0xFFFFFFFF  }
0xa6: {  	s26 =	simm.s32 $execute0_lowered;
	[smem:$0x3FD2] =	sst s25  }
0xa7: {  	s6 =	sshll.u32 s26, $0x1;
	_ =	strace $0x80000046;
	[dreg:$0x1] =	wrdreg $0xFFFFFFFF  }
0xa8: {  	s28 =	simm.s32 $_size_execute0_lowered;
	s4 =	sadd.s32 s4, s6;
	[dreg:$0x0] =	wrdreg $0x0  }
0xa9: {  	s6 =	sshll.u32 s28, $0x1;
	[dreg:$0x2] =	wrdreg s4  }
0xaa: {  	[dreg:$0x3] =	wrdreg s6  }
0xab: {  	[dreg:$0x4] =	wrdreg $0xC0  }
0xac: {  	_ =	task [dreg:s8], $0x5FFFF  }
0xad: {  	[dreg:$0x1] =	wrdreg $0xFFFFFFFF  }
0xae: {  	[dreg:$0x0] =	wrdreg $0x60  }
0xaf: {  	[dreg:$0x2] =	wrdreg s2  }
0xb0: {  	[dreg:$0x3] =	wrdreg s18  }
0xb1: {  	[dreg:$0x4] =	wrdreg s24  }
0xb2: {  	[dreg:$0x5] =	wrdreg $0xA8000  }
0xb3: {  	[dreg:$0x6] =	wrdreg $0x9  }
0xb4: {  	_ =	task.clear_ibuf [dreg:s8], $0x7FFFF;
	_ =	strace $0x90000046  }
0xb5: {  	s29 =	simm.s32 $0x9;
	_ =	strace $0x80000048  }
0xb6: {  	_ =	swait.ge [sflag:s29], $0x1  }
0xb7: {  	[sflag:s29] =	ssyncadd.s32 $0xFFFFFFFF  }
0xb8: {  	_ =	strace $0x90000048  }
0xb9: {  	_ =	sfence  }
0xba: {  	s30 =	sld [smem:$0x0];
	_ =	sdelay $0x2  }
0xbb: {  	s31 =	sshll.u32 s1, $0xD;
	s1 =	sshrl.u32 s1, $0x2  }
0xbc: {  	s3 =	sand.u32 $0x4000, s31;
	s1 =	sadd.s32 s1, s30  }
0xbd: {  	s0 =	sor.u32 s3, s0;
	s1 =	sshll.u32 s1, $0x11  }
0xbe: {  	s0 =	sor.u32 s1, s0  }
0xbf: {  	s0 =	sadd.s32 $0x8F2B, s0  }
0xc0: {  	[sflag:s0] =	ssyncadd.remote.s32 $0x1  }
0xc1: {  	_ =	sfence.sel $0xFFFF  }
0xc2: {  	[dreg:$0x0] =	wrdreg $0xFFFFFFFF;
	(pc) =	sbr.abs _section_cstart, $3  }
0xc3: {  	[dreg:$0x1] =	wrdreg $0xFFFFFFFF  }
0xc4: {  	_ =	task.clear_ibuf [dreg:s8], $0x2FFFF;
	_ =	strace $0x9FFFFFFF  }
0xc5: {  	(tm) =	ssettm $0x7FFFFFFF  }
tec
execute0_lowered:
.L_overlay_start_1:
0x0: {  	(tag) =	ssettag $0x1  }
0x1: {  	s11 =	rddreg [dreg:$0x0]  }
0x2: {  	s9 =	rddreg [dreg:$0x1]  }
0x3: {  	s12 =	rddreg [dreg:$0x2]  }
0x4: {  	s2 =	rddreg [dreg:$0x3];
	s4 =	srdreg.scid  }
0x5: {  	s3 =	simm.s32 $0x0;
	s1 =	stileid.u32;
	s18 =	simm.s32 $0x2B400  }
0x6: {  	s20 =	simm.s32 $0x80;
	s21 =	simm.s32 $0x2;
	s22 =	simm.s32 $0x3  }
0x7: {  	s23 =	simm.s32 $0x4;
	s24 =	simm.s32 $0x2600;
	s25 =	simm.s32 $0x2680  }
0x8: {  	s26 =	simm.s32 $0x2700;
	s28 =	simm.s32 $0x0;
	s5 =	smul.u32 $0x50000, s1  }
0x9: {  	s10 =	sand.u32 $0x1, s4;
	[smem:$0x7FF] =	sst s3;
	s17 =	smul.u32 $0x2800, s1  }
0xa: {  	s30 =	smul.u32 $0x27100, s1;
	s4 =	sshll.u32 s10, $0x4;
	_ =	strace $0x80000047  }
0xb: {  	s6 =	ssub.s32 $0x2, s10;
	p0 =	seq.s32 s10, $0x1;
	s19 =	smul.u32 $0x271000, s10  }
0xc: {  	s7 =	sor.u32 s1, s4;
	s8 =	sshrl.u32 s6, $0x1;
	s5 =	sshrl.u32 s5, $0x2  }
0xd: {  	s4 =	sadd.s32 $0xC00, s12;
	s18 =	simm.s32 @!p0 $0x3400;
	s13 =	smul.u32 $0x138800, s7  }
0xe: {  	s14 =	ssub.s32 s6, s8;
	s15 =	sadd.s32 s5, s2;
	s29 =	smul.u32 $0x27100, s7  }
0xf: {  	s5 =	sshll.u32 s1, $0x6;
	s16 =	smul.u32 $0x500, s7;
	s12 =	sadd.s32 s18, s12  }
0x10: {  	s31 =	sadd.s32 s19, s11;
	s18 =	simm.s32 $0x5;
	s19 =	simm.s32 $0x1  }
0x11: {  	s6 =	sor.u32 $0x1C05, s5;
	s12 =	sadd.s32 s12, s17;
	s17 =	simm.s32 $0x6  }
0x12: {  	s13 =	sshrl.u32 s13, $0x3;
	s7 =	sadd.s32 s11, s29;
	s9 =	sadd.s32 s9, s16  }
0x13: {  	s16 =	simm.s32 $0x6800;
	s13 =	sadd.s32 s11, s13;
	s11 =	smax.u32 s14, $0x1  }
0x14: {  	s8 =	sadd.s32 $0x800, s13;
	s10 =	sadd.s32 $0x27000, s13;
	s13 =	sadd.s32 s30, s31  }
0x15: {  	s14 =	sshrl.u32 s15, $0x3;
	s15 =	simm.s32 $0x2800;
	s13 =	sadd.s32 $0x1800, s13  }
.LBB2_1:
0x16: {  	[spmem:s14], [sflag:s6] =	dma.local [hbm:s4], $0x2800  }
0x17: {  	[tilespmem:s15], [sflag:$0x1] =	stream.linear.gather [hbm4b:s7+s3], $0x4000, $0x38;
	[tilespmem:$0x1E800] =	vst v63  }
0x18: {  	_ = 	snop  }
0x19: {  	[tilespmem:s16], [sflag:$0x2] =	stream.linear.gather [hbm4b:s8+s3], $0x4000, $0x38;
	[tilespmem:$0x1E800] =	vst v63  }
0x1a: {  	_ = 	snop  }
0x1b: {  	[tilespmem:s3], [sflag:$0x6] =	stream.linear.gather [hbm4b:s9+s3], $0x2780, $0x38;
	[tilespmem:$0x1E800] =	vst v63  }
0x1c: {  	_ =	swait.ge [sflag:s17], $0x2780  }
0x1d: {  	[sflag:s17] =	ssyncset.done $0x0  }
0x1e: {  	[sflag:s17] =	ssyncadd.s32 $0xFFFFD880  }
0x1f: {  	_ =	swait.ge [sflag:s18], $0x2800  }
0x20: {  	[sflag:s18] =	ssyncset.done $0x0  }
0x21: {  	[sflag:s18] =	ssyncadd.s32 $0xFFFFD800  }
0x22: {  	[bflag:$0x0] =	sbarrier.arrive $0xFFFF  }
0x23: {  	_ =	swait.ge [sflag:s19], $0x4000  }
0x24: {  	[sflag:s19] =	ssyncset.done $0x0  }
0x25: {  	s29 =	simm.s32 $0x0;
	[sflag:s19] =	ssyncadd.s32 $0xFFFFC000  }
0x26: {  	[spmem:s2] =	stream.indirect.scatter.add.f32 [tilespmem:s15], [sflag:$0x3], $0x80, s29, s20, $0xb8;
	[tilespmem:$0x1E800] =	vst v63  }
0x27: {  	_ =	swait.ge [sflag:s21], $0x4000  }
0x28: {  	[sflag:s21] =	ssyncset.done $0x0  }
0x29: {  	s29 =	simm.s32 $0x80;
	[sflag:s21] =	ssyncadd.s32 $0xFFFFC000  }
0x2a: {  	[spmem:s2] =	stream.indirect.scatter.add.f32 [tilespmem:s16], [sflag:$0x4], $0x80, s29, s20, $0xb8;
	[tilespmem:$0x1E800] =	vst v63  }
0x2b: {  	_ =	swait.ge [sflag:s22], $0x4000  }
0x2c: {  	[sflag:s22] =	ssyncset.done $0x0  }
0x2d: {  	s29 =	sadd.s32 $0xFFFFF800, s13;
	[sflag:s22] =	ssyncadd.s32 $0xFFFFC000  }
0x2e: {  	[tilespmem:s15], [sflag:$0x1] =	stream.linear.gather [hbm4b:s29+s3], $0x4000, $0x38;
	[tilespmem:$0x1E800] =	vst v63  }
0x2f: {  	_ =	swait.ge [sflag:s23], $0x4000  }
0x30: {  	s30 =	sadd.s32 $0x1000, s13;
	[sflag:s23] =	ssyncset.done $0x0  }
0x31: {  	s31 =	smov.u32 s13;
	s29 =	simm.s32 $0x400;
	[sflag:s23] =	ssyncadd.s32 $0xFFFFC000  }
.LBB2_2:
0x32: {  	[tilespmem:s16], [sflag:$0x2] =	stream.linear.gather [hbm4b:s31+s3], $0x4000, $0x38;
	[tilespmem:$0x1E800] =	vst v63  }
0x33: {  	s0 =	smov.u32 s29;
	s31 =	smov.u32 s30  }
0x34: {  	p0 =	sne.s32 s29, $0x9400;
	s29 =	sadd.s32 $0x400, s29;
	_ =	swait.ge [sflag:s19], $0x4000  }
0x35: {  	[sflag:s19] =	ssyncset.done $0x0  }
0x36: {  	s0 =	sshra.s32 s0, $0x2;
	[sflag:s19] =	ssyncadd.s32 $0xFFFFC000  }
0x37: {  	[spmem:s2] =	stream.indirect.scatter.add.f32 [tilespmem:s15], [sflag:$0x3], $0x80, s0, s20, $0xb8;
	[tilespmem:$0x1E800] =	vst v63  }
0x38: {  	_ =	swait.ge [sflag:s21], $0x4000  }
0x39: {  	[sflag:s21] =	ssyncset.done $0x0  }
0x3a: {  	s0 =	sadd.s32 $0x80, s0;
	[sflag:s21] =	ssyncadd.s32 $0xFFFFC000  }
0x3b: {  	[spmem:s2] =	stream.indirect.scatter.add.f32 [tilespmem:s16], [sflag:$0x4], $0x80, s0, s20, $0xb8;
	[tilespmem:$0x1E800] =	vst v63  }
0x3c: {  	_ =	swait.ge [sflag:s22], $0x4000  }
0x3d: {  	[sflag:s22] =	ssyncset.done $0x0  }
.Ltmp0:
0x3e: {  	s0 =	sadd.s32 $0xFFFFF800, s30;
	[sflag:s22] =	ssyncadd.s32 $0xFFFFC000;
	(pc) =	sbr.rel @p0 .LBB2_2-.Ltmp0, $4  }
0x3f: {  	[tilespmem:s15], [sflag:$0x1] =	stream.linear.gather [hbm4b:s0+s3], $0x4000, $0x38;
	[tilespmem:$0x1E800] =	vst v63  }
0x40: {  	_ =	swait.ge [sflag:s23], $0x4000  }
0x41: {  	[sflag:s23] =	ssyncset.done $0x0  }
0x42: {  	s30 =	sadd.s32 $0x1000, s30;
	[sflag:s23] =	ssyncadd.s32 $0xFFFFC000  }
0x43: {  	[tilespmem:s16], [sflag:$0x2] =	stream.linear.gather [hbm4b:s31+s3], $0x4000, $0x38;
	[tilespmem:$0x1E800] =	vst v63  }
0x44: {  	_ =	swait.ge [sflag:s19], $0x4000  }
0x45: {  	[sflag:s19] =	ssyncset.done $0x0  }
0x46: {  	[sflag:s19] =	ssyncadd.s32 $0xFFFFC000  }
0x47: {  	[spmem:s2] =	stream.indirect.scatter.add.f32 [tilespmem:s15], [sflag:$0x3], $0x80, s24, s20, $0xb8;
	[tilespmem:$0x1E800] =	vst v63  }
0x48: {  	_ =	swait.ge [sflag:s21], $0x4000  }
0x49: {  	[sflag:s21] =	ssyncset.done $0x0  }
0x4a: {  	[sflag:s21] =	ssyncadd.s32 $0xFFFFC000  }
0x4b: {  	[spmem:s2] =	stream.indirect.scatter.add.f32 [tilespmem:s16], [sflag:$0x4], $0x80, s25, s20, $0xb8;
	[tilespmem:$0x1E800] =	vst v63  }
0x4c: {  	_ =	swait.ge [sflag:s22], $0x4000  }
0x4d: {  	[sflag:s22] =	ssyncset.done $0x0  }
0x4e: {  	[sflag:s22] =	ssyncadd.s32 $0xFFFFC000  }
0x4f: {  	_ =	swait.ge [sflag:s23], $0x4000  }
0x50: {  	[sflag:s23] =	ssyncset.done $0x0  }
0x51: {  	[sflag:s23] =	ssyncadd.s32 $0xFFFFC000  }
0x52: {  	[tilespmem:s15], [sflag:$0x6] =	stream.linear.gather [hbm4b:s10+s3], $0x800, $0x38;
	[tilespmem:$0x1E800] =	vst v63  }
0x53: {  	_ =	swait.ge [sflag:s17], $0x800  }
0x54: {  	[sflag:s17] =	ssyncset.done $0x0  }
0x55: {  	[sflag:s17] =	ssyncadd.s32 $0xFFFFF800  }
0x56: {  	[spmem:s2] =	stream.indirect.scatter.add.f32 [tilespmem:s15], [sflag:$0x6], $0x80, s26, s20, $0xb8;
	[tilespmem:$0x1E800] =	vst v63  }
0x57: {  	_ =	swait.ge [sflag:s17], $0x4000  }
0x58: {  	s28 =	sadd.s32 $0x1, s28;
	[sflag:s17] =	ssyncset.done $0x0  }
0x59: {  	p0 =	sne.s32 s28, s11;
	[sflag:s17] =	ssyncadd.s32 $0xFFFFC000  }
.Ltmp1:
0x5a: {  	s0 =	sor.u32 $0x1C06, s5;
	[bflag:$0x0] =	sbarrier.arrive $0xFFFF;
	(pc) =	sbr.rel @p0 .LBB2_1-.Ltmp1, $4  }
0x5b: {  	[hbm:s12], [sflag:s0] =	dma.local [spmem:s14], $0x2800  }
0x5c: {  	_ =	swait.ge [sflag:s17], $0x2800  }
0x5d: {  	[sflag:s17] =	ssyncset.done $0x0  }
0x5e: {  	[sflag:s17] =	ssyncadd.s32 $0xFFFFD800  }
0x5f: {  	_ =	sfence.sel $0x180000  }
0x60: {  	[bflag:$0x0] =	sbarrier.arrive $0xFFFF  }
0x61: {  	_ =	strace $0x90000047  }
0x62: {  	[bflag:$0x2] =	sbarrier.arrive $0xFFFF  }
0x63: {  	p0 =	sne.s32 s1, $0x0;
	s0 =	rddreg [dreg:$0x4]  }
0x64: {  	s0 =	sadd.s32 @!p0 $0x100000, s0  }
0x65: {  	[sflag:s0] =	ssyncadd.tile.s32 @!p0 $0x1;
	_ =	shalt  }
.Lfunc_end2:
_tile_overlayer_lowered:
.L_overlay_start_2:
0x66: {  	(tag) =	ssettag $0x2  }
0x67: {  	s0 =	rddreg [dreg:$0x0];
	s2 =	stileid.u32  }
0x68: {  	s1 =	rddreg [dreg:$0x1];
	p0 =	sne.s32 s2, $0x0  }
0x69: {  	s3 =	rddreg [dreg:$0x2];
	[bflag:$0x3] =	sbarrier.arrive $0xFFFF;
	s2 =	simm.s32 @!p0 $0x1C06  }
0x6a: {  	[timem:s3], [sflag:s2] =	dma.local @!p0 [hbm:s0], s1  }
0x6b: {  	s0 =	simm.s32 @!p0 $0x6  }
0x6c: {  	_ =	swait.ge @!p0 [sflag:s0], s1  }
0x6d: {  	s1 =	ssub.s32 @!p0 $0x0, s1;
	[sflag:s0] =	ssyncset.done @!p0 $0x0  }
0x6e: {  	[sflag:s0] =	ssyncadd.s32 @!p0 s1  }
0x6f: {  	[bflag:$0x3] =	sbarrier.arrive $0xFFFF  }
0x70: {  	_ =	shalt  }

</sc_bundles>
